<compile_context>
chip_gen: v7x
topology: tpu7x:2x2x1
jax: 0.10.2.dev20260603
libtpu: 0.0.44.dev20260713+nightly
codegen_flags: <defaults>
</compile_context>

<pallas_src>
import jax
import jax.numpy as jnp
from jax import lax
from jax.experimental import pallas as pl
from jax.experimental.pallas import tpu as pltpu
from jax.experimental.pallas import tpu_sc as plsc

_N_E = 8192
_D = 32
_BETA = 0.25
_B = 8 * 576
_BM = 576
_G = _B // _BM

_NC = 2
_NS = 16
_NW = _NC * _NS
_BPW = _B // _NW


def _main_body(z_ref, embt_ref, idx_ref, ap_ref, ent_ref,
               embn_ref, esq_ref):
    i = pl.program_id(0)

    @pl.when(i == 0)
    def _init():
        embt = embt_ref[...]
        nsq = jnp.sum(embt * embt, axis=0, keepdims=True)
        embn = embt / jnp.maximum(jnp.sqrt(nsq), 1e-12)
        embn_ref[...] = embn
        esq_ref[...] = jnp.sum(embn * embn, axis=0, keepdims=True)
        ap_ref[...] = jnp.zeros_like(ap_ref)
        ent_ref[...] = jnp.zeros_like(ent_ref)

    z = z_ref[...]
    zn = z / jnp.maximum(jnp.sqrt(jnp.sum(z * z, axis=1, keepdims=True)), 1e-12)
    zsq = jnp.sum(zn * zn, axis=1, keepdims=True)

    dot = jnp.dot(zn, embn_ref[...], preferred_element_type=jnp.float32)
    d = (zsq + esq_ref[...]) - 2.0 * dot
    idx = jnp.argmin(d, axis=1).astype(jnp.int32)
    idx_ref[...] = idx.reshape(1, 1, _BM)

    lc = 10.0 * d - 40.0
    e = jnp.exp(lc)
    s = jnp.sum(e, axis=1, keepdims=True)
    inv = 1.0 / s
    ap_ref[...] += jnp.sum(e * inv, axis=0, keepdims=True)
    rowent = jnp.log(s) - inv * jnp.sum(e * lc, axis=1, keepdims=True)
    ent_ref[...] += jnp.sum(rowent).reshape(1, 1)


def _main_tc(z_flat, embt):
    return pl.pallas_call(
        _main_body,
        grid=(_G,),
        in_specs=[
            pl.BlockSpec((_BM, _D), lambda i: (i, 0)),
            pl.BlockSpec((_D, _N_E), lambda i: (0, 0)),
        ],
        out_specs=[
            pl.BlockSpec((1, 1, _BM), lambda i: (i, 0, 0)),
            pl.BlockSpec((1, _N_E), lambda i: (0, 0)),
            pl.BlockSpec((1, 1), lambda i: (0, 0)),
        ],
        out_shape=[
            jax.ShapeDtypeStruct((_G, 1, _BM), jnp.int32),
            jax.ShapeDtypeStruct((1, _N_E), jnp.float32),
            jax.ShapeDtypeStruct((1, 1), jnp.float32),
        ],
        scratch_shapes=[
            pltpu.VMEM((_D, _N_E), jnp.float32),
            pltpu.VMEM((1, _N_E), jnp.float32),
        ],
        compiler_params=pltpu.CompilerParams(
            dimension_semantics=("arbitrary",)),
    )(z_flat, embt)


def _sc_gather_body(emb_hbm, idx_hbm, out_hbm, hist_hbm, idx_v, rows_v,
                    hist_v, sem):
    wid = lax.axis_index("s") * _NC + lax.axis_index("c")
    base = wid * _BPW
    pltpu.sync_copy(idx_hbm.at[pl.ds(base, _BPW)], idx_v)
    copy = pltpu.async_copy(emb_hbm.at[idx_v], rows_v, sem)

    def _zero(k, _):
        hist_v[pl.ds(k * 16, 16)] = jnp.zeros((16,), jnp.float32)
        return _
    lax.fori_loop(0, _N_E // 16, _zero, 0)
    ones = jnp.ones((16,), jnp.float32)
    for j in range(_BPW // 16):
        plsc.addupdate_scatter(hist_v, [idx_v[pl.ds(j * 16, 16)]], ones)
    pltpu.sync_copy(hist_v, hist_hbm.at[wid])

    copy.wait()
    pltpu.sync_copy(rows_v, out_hbm.at[pl.ds(base, _BPW)])


def _sc_gather(emb, idx):
    mesh = plsc.VectorSubcoreMesh(core_axis_name="c", subcore_axis_name="s")
    f = pl.kernel(
        _sc_gather_body,
        mesh=mesh,
        out_type=[
            jax.ShapeDtypeStruct((_B, _D), jnp.float32),
            jax.ShapeDtypeStruct((_NW, _N_E), jnp.float32),
        ],
        scratch_types=[
            pltpu.VMEM((_BPW,), jnp.int32),
            pltpu.VMEM((_BPW, _D), jnp.float32),
            pltpu.VMEM((_N_E,), jnp.float32),
            pltpu.SemaphoreType.DMA,
        ],
        compiler_params=pltpu.CompilerParams(use_tc_tiling_on_sc=False,
                                             needs_layout_passes=False),
    )
    return f(emb, idx)


def _fin_body(z_ref, zq_ref, ap_ref, ent_ref, histsc_ref,
              out_ref, loss_ref, perp_ref, entmin_ref):
    z = z_ref[...]
    zn = z / jnp.maximum(jnp.sqrt(jnp.sum(z * z, axis=1, keepdims=True)), 1e-12)
    zq = zq_ref[...]
    zqn = zq / jnp.maximum(jnp.sqrt(jnp.sum(zq * zq, axis=1, keepdims=True)),
                           1e-12)
    out_ref[...] = zn + (zqn - zn)
    diff = zqn - zn
    commit = (1.0 + _BETA) * jnp.mean(diff * diff)
    ap = ap_ref[...] * (1.0 / _B)
    ent_max = -jnp.sum(ap * jnp.log(ap))
    hist = jnp.sum(histsc_ref[...], axis=0, keepdims=True)
    loss_ref[...] = (commit - ent_max).reshape(1, 1)
    probs = hist * (1.0 / _B)
    perp_ref[...] = jnp.exp(-jnp.sum(probs * jnp.log(probs + 1e-10))).reshape(1, 1)
    entmin_ref[...] = ent_ref[...] * (1.0 / _B)


def _finalize(z_flat, zq, ap_sum, ent_sum, hist_sc):
    return pl.pallas_call(
        _fin_body,
        out_shape=[
            jax.ShapeDtypeStruct((_B, _D), jnp.float32),
            jax.ShapeDtypeStruct((1, 1), jnp.float32),
            jax.ShapeDtypeStruct((1, 1), jnp.float32),
            jax.ShapeDtypeStruct((1, 1), jnp.float32),
        ],
    )(z_flat, zq, ap_sum, ent_sum, hist_sc)


def kernel(z, emb):
    z_flat = z.reshape(_B, _D)
    idx3, ap_sum, ent_sum = _main_tc(z_flat, emb.T)
    idx = idx3.reshape(_B)
    zq, hist_sc = _sc_gather(emb, idx)
    zq_out, loss, perp, entmin = _finalize(z_flat, zq, ap_sum, ent_sum,
                                           hist_sc)
    return (zq_out.reshape(z.shape), idx, loss[0, 0], perp[0, 0],
            entmin[0, 0])

# --- scband reference (transcript-rebuilt; emitter-appended) ---
"""Pipeline reference for scband-vector-quantizer-l2norm-38663295599459 (READ-ONLY COPY).

The authoritative reference and input builder live on the scoring server;
editing this copy changes nothing except your own understanding.
"""

import jax, jax.numpy as jnp
import numpy as np

N_E = 8192
E_DIM = 32
BETA = 0.25
W_COMMIT = 1.0
W_DIV = 1.0


def l2norm(x):
    # mirrors F.normalize(x, dim=-1) with eps=1e-12
    n = jnp.linalg.norm(x, axis=-1, keepdims=True)
    return x / jnp.maximum(n, 1e-12)


def setup_inputs(seed: int = 0) -> dict:
    key = jax.random.key(seed)
    k1, k2 = jax.random.split(key)
    z = jax.random.normal(k1, (8, 576, 32), dtype=jnp.float32)
    # embedding.weight.data.uniform_(-1/n_e, 1/n_e)
    emb = jax.random.uniform(k2, (N_E, E_DIM), minval=-1.0 / N_E, maxval=1.0 / N_E, dtype=jnp.float32)
    return {"z": z, "emb": emb}


def reference(z, emb):
    # project_in is Identity (latent_dim == e_dim)
    z_flat_ori = z.reshape(-1, E_DIM)
    z_flat = l2norm(z_flat_ori)
    # expire_codes: cluster_size initialized to 2*threshold, so no codes expire -> no-op
    emb_norm = l2norm(emb)
    d = (jnp.sum(z_flat ** 2, axis=1, keepdims=True)
         + jnp.sum(emb_norm ** 2, axis=1)
         - 2.0 * jnp.einsum('bd,nd->bn', z_flat, emb_norm))
    scaled = d * 10.0
    # calc_entropy
    p = jax.nn.softmax(scaled, axis=-1)
    ap = p.mean(axis=0)
    entropy_to_max = -jnp.sum(ap * jnp.log(ap))
    entropy_to_min = jnp.mean(-jnp.sum(p * jnp.log(p), axis=-1))
    diversity_loss = -entropy_to_max
    min_encoding_indices = jnp.argmin(d, axis=1)
    z_q = jnp.take(emb, min_encoding_indices, axis=0).reshape(z.shape)
    z_q_n = l2norm(z_q)
    z_n = l2norm(z)
    # legacy=True commit loss
    commit_loss = jnp.mean((jax.lax.stop_gradient(z_q_n) - z_n) ** 2) + BETA * jnp.mean((z_q_n - jax.lax.stop_gradient(z_n)) ** 2)
    loss = W_COMMIT * commit_loss + W_DIV * diversity_loss
    # preserve_gradient: straight-through estimator
    z_q_out = z_n + jax.lax.stop_gradient(z_q_n - z_n)
    # project_out is Identity (output_dim == e_dim)
    # stats (world_size = 1)
    total_codes = float(z_flat.shape[0])
    onehot_assignments = jnp.zeros((N_E,), dtype=jnp.float32).at[min_encoding_indices].add(1.0)
    probs = onehot_assignments / total_codes
    perplexity = jnp.exp(-jnp.sum(probs * jnp.log(probs + 1e-10)))
    return (z_q_out, min_encoding_indices, loss, perplexity, entropy_to_min)

if __name__ == "__main__":
    import jax
    _d = setup_inputs()
    print(jax.jit(kernel)(*tuple(_d.values())))

</pallas_src>

<mosaic_0001>
#map = affine_map<(d0, d1) -> (0, 0)>
#map1 = affine_map<(d0, d1) -> (0)>
module attributes {stable_mosaic.version = 14 : i64} {
  func.func @_sc_gather_body(%arg0: i32, %arg1: i32, %arg2: memref<8192x32xf32, #tpu.memory_space<hbm>>, %arg3: memref<4608xi32, #tpu.memory_space<hbm>>, %arg4: memref<4608x32xf32, #tpu.memory_space<hbm>>, %arg5: memref<32x8192xf32, #tpu.memory_space<hbm>>, %arg6: memref<144xi32, #tpu.memory_space<vmem>>, %arg7: memref<144x32xf32, #tpu.memory_space<vmem>>, %arg8: memref<8192xf32, #tpu.memory_space<vmem>>, %arg9: memref<!tpu.dma_semaphore, #tpu.memory_space<semaphore_mem>>) attributes {dimension_semantics = [#tpu.dimension_semantics<core_parallel>, #tpu.dimension_semantics<subcore_parallel>], iteration_bounds = array<i64: 2, 16>, scalar_prefetch = 0 : i64, scratch_operands = 4 : i64, tpu.core_type = #tpu.core_type<sc_vector_subcore>, window_params = [{transform_indices = #map}, {transform_indices = #map1}, {transform_indices = #map}, {transform_indices = #map}]} {
    %mul3A = arith.constant 2 : i32
    %mul3A_0 = arith.muli %arg1, %mul3A : i32
    %add3A = arith.addi %mul3A_0, %arg0 : i32
    %mul3A_1 = arith.constant 144 : i32
    %mul3A_2 = arith.muli %add3A, %mul3A_1 : i32
    "tpu.region"() ({
      %run_scoped3A = tpu.sem_alloc : memref<!tpu.dma_semaphore, #tpu.memory_space<semaphore_mem>>
      %dma_start3A_30 = tpu.memref_slice %arg3[%mul3A_2] : memref<4608xi32, #tpu.memory_space<hbm>> -> memref<144xi32, #tpu.memory_space<hbm>>
      %dma_start3A_31 = tpu.memref_slice %arg3[%mul3A_2] : memref<4608xi32, #tpu.memory_space<hbm>> -> memref<144xi32, #tpu.memory_space<hbm>>
      tpu.enqueue_dma source(%dma_start3A_31 : memref<144xi32, #tpu.memory_space<hbm>>) target(%arg6 : memref<144xi32, #tpu.memory_space<vmem>>) target_semaphore(%run_scoped3A : memref<!tpu.dma_semaphore, #tpu.memory_space<semaphore_mem>>)
      %dma_wait3A_32 = tpu.memref_slice %arg3[%mul3A_2] : memref<4608xi32, #tpu.memory_space<hbm>> -> memref<144xi32, #tpu.memory_space<hbm>>
      %dma_wait3A_33 = tpu.memref_slice %arg3[%mul3A_2] : memref<4608xi32, #tpu.memory_space<hbm>> -> memref<144xi32, #tpu.memory_space<hbm>>
      tpu.wait_dma2 semaphore(%run_scoped3A : memref<!tpu.dma_semaphore, #tpu.memory_space<semaphore_mem>>) src(%dma_wait3A_33 : memref<144xi32, #tpu.memory_space<hbm>>) dst(%arg6 : memref<144xi32, #tpu.memory_space<vmem>>)
      tpu.yield
    }) : () -> ()
    %dma_start3A = arith.constant 0 : i32
    %dma_start3A_3 = arith.constant 0 : i32
    %dma_start3A_4 = tpu.memref_slice %arg2[%dma_start3A, %dma_start3A_3] : memref<8192x32xf32, #tpu.memory_space<hbm>> -> memref<8192x32xf32, #tpu.memory_space<hbm>>
    tpu.enqueue_indirect_dma source(%dma_start3A_4 : memref<8192x32xf32, #tpu.memory_space<hbm>>) target(%arg7 : memref<144x32xf32, #tpu.memory_space<vmem>>) offsets(%arg6 : memref<144xi32, #tpu.memory_space<vmem>>) semaphore(%arg9 : memref<!tpu.dma_semaphore, #tpu.memory_space<semaphore_mem>>)
    %scan3A = arith.constant 0 : i32
    %scan3A_5 = arith.constant 0 : i32
    %scan3A_6 = arith.constant 512 : i32
    %scan3A_7 = arith.addi %scan3A_5, %scan3A_6 : i32
    %scan3A_8 = arith.constant 1 : i32
    scf.for %scan3A_30 = %scan3A_5 to %scan3A_7 step %scan3A_8  : i32 {
      %broadcast_in_dim3A_31 = arith.constant 0.000000e+00 : f32
      %broadcast_in_dim3A_32 = vector.broadcast %broadcast_in_dim3A_31 : f32 to vector<16xf32>
      %mul3A_33 = arith.constant 16 : i32
      %mul3A_34 = arith.muli %scan3A_30, %mul3A_33 : i32
      %swap3A = arith.index_cast %mul3A_34 : i32 to index
      %swap3A_35 = tpu.vector_load %arg8[%swap3A] {strides = array<i32>} : memref<8192xf32, #tpu.memory_space<vmem>>, vector<16xf32>,
      tpu.vector_store %arg8[%swap3A], %broadcast_in_dim3A_32 {strides = array<i32>} : memref<8192xf32, #tpu.memory_space<vmem>>, vector<16xf32>,
    }
    %scan3A_9 = arith.constant 512 : i32
    %broadcast_in_dim3A = arith.constant 1.000000e+00 : f32
    %broadcast_in_dim3A_10 = vector.broadcast %broadcast_in_dim3A : f32 to vector<16xf32>
    %get3A = arith.constant 0 : index
    %get3A_11 = tpu.vector_load %arg6[%get3A] {strides = array<i32>} : memref<144xi32, #tpu.memory_space<vmem>>, vector<16xi32>,
    tpu.vector_store_idx %arg8[%get3A_11], %broadcast_in_dim3A_10 {add = true} : memref<8192xf32, #tpu.memory_space<vmem>>[vector<16xi32>], vector<16xf32>,
    %get3A_12 = arith.constant 16 : index
    %get3A_13 = tpu.vector_load %arg6[%get3A_12] {strides = array<i32>} : memref<144xi32, #tpu.memory_space<vmem>>, vector<16xi32>,
    tpu.vector_store_idx %arg8[%get3A_13], %broadcast_in_dim3A_10 {add = true} : memref<8192xf32, #tpu.memory_space<vmem>>[vector<16xi32>], vector<16xf32>,
    %get3A_14 = arith.constant 32 : index
    %get3A_15 = tpu.vector_load %arg6[%get3A_14] {strides = array<i32>} : memref<144xi32, #tpu.memory_space<vmem>>, vector<16xi32>,
    tpu.vector_store_idx %arg8[%get3A_15], %broadcast_in_dim3A_10 {add = true} : memref<8192xf32, #tpu.memory_space<vmem>>[vector<16xi32>], vector<16xf32>,
    %get3A_16 = arith.constant 48 : index
    %get3A_17 = tpu.vector_load %arg6[%get3A_16] {strides = array<i32>} : memref<144xi32, #tpu.memory_space<vmem>>, vector<16xi32>,
    tpu.vector_store_idx %arg8[%get3A_17], %broadcast_in_dim3A_10 {add = true} : memref<8192xf32, #tpu.memory_space<vmem>>[vector<16xi32>], vector<16xf32>,
    %get3A_18 = arith.constant 64 : index
    %get3A_19 = tpu.vector_load %arg6[%get3A_18] {strides = array<i32>} : memref<144xi32, #tpu.memory_space<vmem>>, vector<16xi32>,
    tpu.vector_store_idx %arg8[%get3A_19], %broadcast_in_dim3A_10 {add = true} : memref<8192xf32, #tpu.memory_space<vmem>>[vector<16xi32>], vector<16xf32>,
    %get3A_20 = arith.constant 80 : index
    %get3A_21 = tpu.vector_load %arg6[%get3A_20] {strides = array<i32>} : memref<144xi32, #tpu.memory_space<vmem>>, vector<16xi32>,
    tpu.vector_store_idx %arg8[%get3A_21], %broadcast_in_dim3A_10 {add = true} : memref<8192xf32, #tpu.memory_space<vmem>>[vector<16xi32>], vector<16xf32>,
    %get3A_22 = arith.constant 96 : index
    %get3A_23 = tpu.vector_load %arg6[%get3A_22] {strides = array<i32>} : memref<144xi32, #tpu.memory_space<vmem>>, vector<16xi32>,
    tpu.vector_store_idx %arg8[%get3A_23], %broadcast_in_dim3A_10 {add = true} : memref<8192xf32, #tpu.memory_space<vmem>>[vector<16xi32>], vector<16xf32>,
    %get3A_24 = arith.constant 112 : index
    %get3A_25 = tpu.vector_load %arg6[%get3A_24] {strides = array<i32>} : memref<144xi32, #tpu.memory_space<vmem>>, vector<16xi32>,
    tpu.vector_store_idx %arg8[%get3A_25], %broadcast_in_dim3A_10 {add = true} : memref<8192xf32, #tpu.memory_space<vmem>>[vector<16xi32>], vector<16xf32>,
    %get3A_26 = arith.constant 128 : index
    %get3A_27 = tpu.vector_load %arg6[%get3A_26] {strides = array<i32>} : memref<144xi32, #tpu.memory_space<vmem>>, vector<16xi32>,
    tpu.vector_store_idx %arg8[%get3A_27], %broadcast_in_dim3A_10 {add = true} : memref<8192xf32, #tpu.memory_space<vmem>>[vector<16xi32>], vector<16xf32>,
    "tpu.region"() ({
      %run_scoped3A = tpu.sem_alloc : memref<!tpu.dma_semaphore, #tpu.memory_space<semaphore_mem>>
      %dma_start3A_30 = arith.constant 0 : i32
      %dma_start3A_31 = tpu.memref_slice %arg5[%add3A, %dma_start3A_30] : memref<32x8192xf32, #tpu.memory_space<hbm>> -> memref<1x8192xf32, #tpu.memory_space<hbm>>
      %dma_start3A_32 = tpu.memref_squeeze %dma_start3A_31 : memref<1x8192xf32, #tpu.memory_space<hbm>> -> memref<8192xf32, #tpu.memory_space<hbm>>
      %dma_start3A_33 = arith.constant 0 : i32
      %dma_start3A_34 = tpu.memref_slice %arg5[%add3A, %dma_start3A_33] : memref<32x8192xf32, #tpu.memory_space<hbm>> -> memref<1x8192xf32, #tpu.memory_space<hbm>>
      %dma_start3A_35 = tpu.memref_squeeze %dma_start3A_34 : memref<1x8192xf32, #tpu.memory_space<hbm>> -> memref<8192xf32, #tpu.memory_space<hbm>>
      tpu.enqueue_dma source(%arg8 : memref<8192xf32, #tpu.memory_space<vmem>>) target(%dma_start3A_35 : memref<8192xf32, #tpu.memory_space<hbm>>) target_semaphore(%run_scoped3A : memref<!tpu.dma_semaphore, #tpu.memory_space<semaphore_mem>>)
      %dma_wait3A_36 = arith.constant 0 : i32
      %dma_wait3A_37 = tpu.memref_slice %arg5[%add3A, %dma_wait3A_36] : memref<32x8192xf32, #tpu.memory_space<hbm>> -> memref<1x8192xf32, #tpu.memory_space<hbm>>
      %dma_wait3A_38 = tpu.memref_squeeze %dma_wait3A_37 : memref<1x8192xf32, #tpu.memory_space<hbm>> -> memref<8192xf32, #tpu.memory_space<hbm>>
      %dma_wait3A_39 = arith.constant 0 : i32
      %dma_wait3A_40 = tpu.memref_slice %arg5[%add3A, %dma_wait3A_39] : memref<32x8192xf32, #tpu.memory_space<hbm>> -> memref<1x8192xf32, #tpu.memory_space<hbm>>
      %dma_wait3A_41 = tpu.memref_squeeze %dma_wait3A_40 : memref<1x8192xf32, #tpu.memory_space<hbm>> -> memref<8192xf32, #tpu.memory_space<hbm>>
      tpu.wait_dma2 semaphore(%run_scoped3A : memref<!tpu.dma_semaphore, #tpu.memory_space<semaphore_mem>>) src(%arg8 : memref<8192xf32, #tpu.memory_space<vmem>>) dst(%dma_wait3A_41 : memref<8192xf32, #tpu.memory_space<hbm>>)
      tpu.yield
    }) : () -> ()
    %dma_wait3A = arith.constant 0 : i32
    %dma_wait3A_28 = arith.constant 0 : i32
    %dma_wait3A_29 = tpu.memref_slice %arg2[%dma_wait3A, %dma_wait3A_28] : memref<8192x32xf32, #tpu.memory_space<hbm>> -> memref<8192x32xf32, #tpu.memory_space<hbm>>
    tpu.wait_indirect_dma semaphore(%arg9 : memref<!tpu.dma_semaphore, #tpu.memory_space<semaphore_mem>>) src(%dma_wait3A_29 : memref<8192x32xf32, #tpu.memory_space<hbm>>) dst(%arg7 : memref<144x32xf32, #tpu.memory_space<vmem>>)
    "tpu.region"() ({
      %run_scoped3A = tpu.sem_alloc : memref<!tpu.dma_semaphore, #tpu.memory_space<semaphore_mem>>
      %dma_start3A_30 = arith.constant 0 : i32
      %dma_start3A_31 = tpu.memref_slice %arg4[%mul3A_2, %dma_start3A_30] : memref<4608x32xf32, #tpu.memory_space<hbm>> -> memref<144x32xf32, #tpu.memory_space<hbm>>
      %dma_start3A_32 = arith.constant 0 : i32
      %dma_start3A_33 = tpu.memref_slice %arg4[%mul3A_2, %dma_start3A_32] : memref<4608x32xf32, #tpu.memory_space<hbm>> -> memref<144x32xf32, #tpu.memory_space<hbm>>
      tpu.enqueue_dma source(%arg7 : memref<144x32xf32, #tpu.memory_space<vmem>>) target(%dma_start3A_33 : memref<144x32xf32, #tpu.memory_space<hbm>>) target_semaphore(%run_scoped3A : memref<!tpu.dma_semaphore, #tpu.memory_space<semaphore_mem>>)
      %dma_wait3A_34 = arith.constant 0 : i32
      %dma_wait3A_35 = tpu.memref_slice %arg4[%mul3A_2, %dma_wait3A_34] : memref<4608x32xf32, #tpu.memory_space<hbm>> -> memref<144x32xf32, #tpu.memory_space<hbm>>
      %dma_wait3A_36 = arith.constant 0 : i32
      %dma_wait3A_37 = tpu.memref_slice %arg4[%mul3A_2, %dma_wait3A_36] : memref<4608x32xf32, #tpu.memory_space<hbm>> -> memref<144x32xf32, #tpu.memory_space<hbm>>
      tpu.wait_dma2 semaphore(%run_scoped3A : memref<!tpu.dma_semaphore, #tpu.memory_space<semaphore_mem>>) src(%arg7 : memref<144x32xf32, #tpu.memory_space<vmem>>) dst(%dma_wait3A_37 : memref<144x32xf32, #tpu.memory_space<hbm>>)
      tpu.yield
    }) : () -> ()
    return
  }
}

module attributes {stable_mosaic.version = 14 : i64} {
  func.func @_main_body(%arg0: i32, %arg1: memref<576x32xf32, #tpu.memory_space<vmem>>, %arg2: memref<32x8192xf32, #tpu.memory_space<vmem>>, %arg3: memref<1x1x576xi32, #tpu.memory_space<vmem>>, %arg4: memref<1x8192xf32, #tpu.memory_space<vmem>>, %arg5: memref<1x1xf32, #tpu.memory_space<vmem>>, %arg6: memref<32x8192xf32, #tpu.memory_space<vmem>>, %arg7: memref<1x8192xf32, #tpu.memory_space<vmem>>) attributes {dimension_semantics = [#tpu.dimension_semantics<arbitrary>], iteration_bounds = array<i64: 8>, scalar_prefetch = 0 : i64, scratch_operands = 2 : i64, tpu.core_type = #tpu.core_type<tc>, window_params = [{transform_indices = @transform_0, window_bounds = array<i64: 576, 32>}, {pipeline_mode = #tpu.pipeline_mode<synchronous>, transform_indices = @transform_1, window_bounds = array<i64: 32, 8192>}, {transform_indices = @transform_2, window_bounds = array<i64: 1, 1, 576>}, {pipeline_mode = #tpu.pipeline_mode<synchronous>, transform_indices = @transform_3, window_bounds = array<i64: 1, 8192>}, {pipeline_mode = #tpu.pipeline_mode<synchronous>, transform_indices = @transform_4, window_bounds = array<i64: 1, 1>}]} {
    %eq3A = arith.constant 0 : i32
    %eq3A_0 = arith.cmpi eq, %arg0, %eq3A : i32
    %convert_element_type3A = arith.extui %eq3A_0 : i1 to i32
    %cond3A = arith.constant 0 : i32
    %cond3A_1 = arith.cmpi ne, %convert_element_type3A, %cond3A : i32
    scf.if %cond3A_1 {
      %get3A_70 = arith.constant 0 : index
      %get3A_71 = arith.constant 0 : index
      %get3A_72 = vector.load %arg2[%get3A_70, %get3A_71] : memref<32x8192xf32, #tpu.memory_space<vmem>>, vector<32x8192xf32>
      %mul3A_73 = arith.mulf %get3A_72, %get3A_72 : vector<32x8192xf32>
      %reduce_sum3A_74 = arith.constant dense<0.000000e+00> : vector<8192xf32>
      %reduce_sum3A_75 = vector.multi_reduction <add>, %mul3A_73, %reduce_sum3A_74 [0] : vector<32x8192xf32> to vector<8192xf32>
      %broadcast_in_dim3A_76 = vector.shape_cast %reduce_sum3A_75 : vector<8192xf32> to vector<1x8192xf32>
      %sqrt3A_77 = math.sqrt %broadcast_in_dim3A_76 : vector<1x8192xf32>
      %max3A_78 = arith.constant 9.99999996E-13 : f32
      %max3A_79 = vector.broadcast %max3A_78 : f32 to vector<1x8192xf32>
      %max3A_80 = arith.maximumf %sqrt3A_77, %max3A_79 : vector<1x8192xf32>
      %div3A_81 = vector.broadcast %max3A_80 : vector<1x8192xf32> to vector<32x8192xf32>
      %div3A_82 = arith.divf %get3A_72, %div3A_81 : vector<32x8192xf32>
      %swap3A_83 = arith.constant 0 : index
      %swap3A_84 = arith.constant 0 : index
      %swap3A_85 = vector.load %arg6[%swap3A_83, %swap3A_84] : memref<32x8192xf32, #tpu.memory_space<vmem>>, vector<32x8192xf32>
      tpu.vector_store %arg6[%swap3A_83, %swap3A_84], %div3A_82 {strides = array<i32>} : memref<32x8192xf32, #tpu.memory_space<vmem>>, vector<32x8192xf32>,
      %mul3A_86 = arith.mulf %div3A_82, %div3A_82 : vector<32x8192xf32>
      %reduce_sum3A_87 = arith.constant dense<0.000000e+00> : vector<8192xf32>
      %reduce_sum3A_88 = vector.multi_reduction <add>, %mul3A_86, %reduce_sum3A_87 [0] : vector<32x8192xf32> to vector<8192xf32>
      %broadcast_in_dim3A_89 = vector.shape_cast %reduce_sum3A_88 : vector<8192xf32> to vector<1x8192xf32>
      %swap3A_90 = arith.constant 0 : index
      %swap3A_91 = arith.constant 0 : index
      %swap3A_92 = vector.load %arg7[%swap3A_90, %swap3A_91] : memref<1x8192xf32, #tpu.memory_space<vmem>>, vector<1x8192xf32>
      tpu.vector_store %arg7[%swap3A_90, %swap3A_91], %broadcast_in_dim3A_89 {strides = array<i32>} : memref<1x8192xf32, #tpu.memory_space<vmem>>, vector<1x8192xf32>,
      %broadcast_in_dim3A_93 = arith.constant 0.000000e+00 : f32
      %broadcast_in_dim3A_94 = vector.broadcast %broadcast_in_dim3A_93 : f32 to vector<1x8192xf32>
      %swap3A_95 = arith.constant 0 : index
      %swap3A_96 = arith.constant 0 : index
      %swap3A_97 = vector.load %arg4[%swap3A_95, %swap3A_96] : memref<1x8192xf32, #tpu.memory_space<vmem>>, vector<1x8192xf32>
      tpu.vector_store %arg4[%swap3A_95, %swap3A_96], %broadcast_in_dim3A_94 {strides = array<i32>} : memref<1x8192xf32, #tpu.memory_space<vmem>>, vector<1x8192xf32>,
      %broadcast_in_dim3A_98 = arith.constant 0.000000e+00 : f32
      %broadcast_in_dim3A_99 = vector.broadcast %broadcast_in_dim3A_98 : f32 to vector<1x1xf32>
      %swap3A_100 = arith.constant 0 : index
      %swap3A_101 = arith.constant 0 : index
      %swap3A_102 = vector.load %arg5[%swap3A_100, %swap3A_101] : memref<1x1xf32, #tpu.memory_space<vmem>>, vector<1x1xf32>
      tpu.vector_store %arg5[%swap3A_100, %swap3A_101], %broadcast_in_dim3A_99 {strides = array<i32>} : memref<1x1xf32, #tpu.memory_space<vmem>>, vector<1x1xf32>,
    } else {
    }
    %get3A = arith.constant 0 : index
    %get3A_2 = arith.constant 0 : index
    %get3A_3 = vector.load %arg1[%get3A, %get3A_2] : memref<576x32xf32, #tpu.memory_space<vmem>>, vector<576x32xf32>
    %mul3A = arith.mulf %get3A_3, %get3A_3 : vector<576x32xf32>
    %reduce_sum3A = arith.constant dense<0.000000e+00> : vector<576xf32>
    %reduce_sum3A_4 = vector.multi_reduction <add>, %mul3A, %reduce_sum3A [1] : vector<576x32xf32> to vector<576xf32>
    %broadcast_in_dim3A = vector.shape_cast %reduce_sum3A_4 : vector<576xf32> to vector<576x1xf32>
    %sqrt3A = math.sqrt %broadcast_in_dim3A : vector<576x1xf32>
    %max3A = arith.constant 9.99999996E-13 : f32
    %max3A_5 = vector.broadcast %max3A : f32 to vector<576x1xf32>
    %max3A_6 = arith.maximumf %sqrt3A, %max3A_5 : vector<576x1xf32>
    %div3A = vector.broadcast %max3A_6 : vector<576x1xf32> to vector<576x32xf32>
    %div3A_7 = arith.divf %get3A_3, %div3A : vector<576x32xf32>
    %mul3A_8 = arith.mulf %div3A_7, %div3A_7 : vector<576x32xf32>
    %reduce_sum3A_9 = arith.constant dense<0.000000e+00> : vector<576xf32>
    %reduce_sum3A_10 = vector.multi_reduction <add>, %mul3A_8, %reduce_sum3A_9 [1] : vector<576x32xf32> to vector<576xf32>
    %broadcast_in_dim3A_11 = vector.shape_cast %reduce_sum3A_10 : vector<576xf32> to vector<576x1xf32>
    %get3A_12 = arith.constant 0 : index
    %get3A_13 = arith.constant 0 : index
    %get3A_14 = vector.load %arg6[%get3A_12, %get3A_13] : memref<32x8192xf32, #tpu.memory_space<vmem>>, vector<32x8192xf32>
    %dot_general3A = arith.constant dense<0.000000e+00> : vector<576x8192xf32>
    %dot_general3A_15 = tpu.matmul %div3A_7, %get3A_14, %dot_general3A {dimension_numbers = #tpu.dot_dimension_numbers<[1], [0], [0], [1], [0, 0, 1, 1], [], []>, transpose_lhs_hint = false} : vector<576x32xf32>, vector<32x8192xf32>, vector<576x8192xf32> -> vector<576x8192xf32>
    %get3A_16 = arith.constant 0 : index
    %get3A_17 = arith.constant 0 : index
    %get3A_18 = vector.load %arg7[%get3A_16, %get3A_17] : memref<1x8192xf32, #tpu.memory_space<vmem>>, vector<1x8192xf32>
    %add3A = vector.broadcast %broadcast_in_dim3A_11 : vector<576x1xf32> to vector<576x8192xf32>
    %add3A_19 = vector.broadcast %get3A_18 : vector<1x8192xf32> to vector<576x8192xf32>
    %add3A_20 = arith.addf %add3A, %add3A_19 : vector<576x8192xf32>
    %mul3A_21 = arith.constant 2.000000e+00 : f32
    %mul3A_22 = vector.broadcast %mul3A_21 : f32 to vector<576x8192xf32>
    %mul3A_23 = arith.mulf %mul3A_22, %dot_general3A_15 : vector<576x8192xf32>
    %sub3A = arith.subf %add3A_20, %mul3A_23 : vector<576x8192xf32>
    %argmin3A = tpu.reduce_index %sub3A {axis = 1 : i32, kind = #tpu.reduction_kind<arg_min>} : vector<576x8192xf32> -> vector<576xi32>
    %reshape3A = vector.shape_cast %argmin3A : vector<576xi32> to vector<1x1x576xi32>
    %swap3A = arith.constant 0 : index
    %swap3A_24 = arith.constant 0 : index
    %swap3A_25 = arith.constant 0 : index
    %swap3A_26 = vector.load %arg3[%swap3A, %swap3A_24, %swap3A_25] : memref<1x1x576xi32, #tpu.memory_space<vmem>>, vector<1x1x576xi32>
    tpu.vector_store %arg3[%swap3A, %swap3A_24, %swap3A_25], %reshape3A {strides = array<i32>} : memref<1x1x576xi32, #tpu.memory_space<vmem>>, vector<1x1x576xi32>,
    %mul3A_27 = arith.constant 1.000000e+01 : f32
    %mul3A_28 = vector.broadcast %mul3A_27 : f32 to vector<576x8192xf32>
    %mul3A_29 = arith.mulf %mul3A_28, %sub3A : vector<576x8192xf32>
    %sub3A_30 = arith.constant 4.000000e+01 : f32
    %sub3A_31 = vector.broadcast %sub3A_30 : f32 to vector<576x8192xf32>
    %sub3A_32 = arith.subf %mul3A_29, %sub3A_31 : vector<576x8192xf32>
    %exp3A = math.exp %sub3A_32 : vector<576x8192xf32>
    %reduce_sum3A_33 = arith.constant dense<0.000000e+00> : vector<576xf32>
    %reduce_sum3A_34 = vector.multi_reduction <add>, %exp3A, %reduce_sum3A_33 [1] : vector<576x8192xf32> to vector<576xf32>
    %broadcast_in_dim3A_35 = vector.shape_cast %reduce_sum3A_34 : vector<576xf32> to vector<576x1xf32>
    %div3A_36 = arith.constant 1.000000e+00 : f32
    %div3A_37 = vector.broadcast %div3A_36 : f32 to vector<576x1xf32>
    %div3A_38 = arith.divf %div3A_37, %broadcast_in_dim3A_35 : vector<576x1xf32>
    %get3A_39 = arith.constant 0 : index
    %get3A_40 = arith.constant 0 : index
    %get3A_41 = vector.load %arg4[%get3A_39, %get3A_40] : memref<1x8192xf32, #tpu.memory_space<vmem>>, vector<1x8192xf32>
    %mul3A_42 = vector.broadcast %div3A_38 : vector<576x1xf32> to vector<576x8192xf32>
    %mul3A_43 = arith.mulf %exp3A, %mul3A_42 : vector<576x8192xf32>
    %reduce_sum3A_44 = arith.constant dense<0.000000e+00> : vector<8192xf32>
    %reduce_sum3A_45 = vector.multi_reduction <add>, %mul3A_43, %reduce_sum3A_44 [0] : vector<576x8192xf32> to vector<8192xf32>
    %broadcast_in_dim3A_46 = vector.shape_cast %reduce_sum3A_45 : vector<8192xf32> to vector<1x8192xf32>
    %add3A_47 = arith.addf %get3A_41, %broadcast_in_dim3A_46 : vector<1x8192xf32>
    %swap3A_48 = arith.constant 0 : index
    %swap3A_49 = arith.constant 0 : index
    %swap3A_50 = vector.load %arg4[%swap3A_48, %swap3A_49] : memref<1x8192xf32, #tpu.memory_space<vmem>>, vector<1x8192xf32>
    tpu.vector_store %arg4[%swap3A_48, %swap3A_49], %add3A_47 {strides = array<i32>} : memref<1x8192xf32, #tpu.memory_space<vmem>>, vector<1x8192xf32>,
    %log3A = math.log %broadcast_in_dim3A_35 : vector<576x1xf32>
    %mul3A_51 = arith.mulf %exp3A, %sub3A_32 : vector<576x8192xf32>
    %reduce_sum3A_52 = arith.constant dense<0.000000e+00> : vector<576xf32>
    %reduce_sum3A_53 = vector.multi_reduction <add>, %mul3A_51, %reduce_sum3A_52 [1] : vector<576x8192xf32> to vector<576xf32>
    %broadcast_in_dim3A_54 = vector.shape_cast %reduce_sum3A_53 : vector<576xf32> to vector<576x1xf32>
    %mul3A_55 = arith.mulf %div3A_38, %broadcast_in_dim3A_54 : vector<576x1xf32>
    %sub3A_56 = arith.subf %log3A, %mul3A_55 : vector<576x1xf32>
    %get3A_57 = arith.constant 0 : index
    %get3A_58 = arith.constant 0 : index
    %get3A_59 = vector.load %arg5[%get3A_57, %get3A_58] : memref<1x1xf32, #tpu.memory_space<vmem>>, vector<1x1xf32>
    %reduce_sum3A_60 = vector.shape_cast %sub3A_56 : vector<576x1xf32> to vector<1x576x1xf32>
    %reduce_sum3A_61 = arith.constant dense<0.000000e+00> : vector<1xf32>
    %reduce_sum3A_62 = vector.multi_reduction <add>, %reduce_sum3A_60, %reduce_sum3A_61 [1, 2] : vector<1x576x1xf32> to vector<1xf32>
    %reduce_sum3A_63 = vector.shape_cast %reduce_sum3A_62 : vector<1xf32> to vector<1x1x1xf32>
    %reduce_sum3A_64 = vector.extract %reduce_sum3A_63[0, 0, 0] : f32 from vector<1x1x1xf32>
    %reshape3A_65 = vector.broadcast %reduce_sum3A_64 : f32 to vector<1x1xf32>
    %add3A_66 = arith.addf %get3A_59, %reshape3A_65 : vector<1x1xf32>
    %swap3A_67 = arith.constant 0 : index
    %swap3A_68 = arith.constant 0 : index
    %swap3A_69 = vector.load %arg5[%swap3A_67, %swap3A_68] : memref<1x1xf32, #tpu.memory_space<vmem>>, vector<1x1xf32>
    tpu.vector_store %arg5[%swap3A_67, %swap3A_68], %add3A_66 {strides = array<i32>} : memref<1x1xf32, #tpu.memory_space<vmem>>, vector<1x1xf32>,
    return
  }
  func.func @transform_0(%arg0: i32) -> (i32, i32) {
    %c0_i32 = arith.constant 0 : i32
    %c0_i32_0 = arith.constant 0 : i32
    return %arg0, %c0_i32 : i32, i32
  }
  func.func @transform_1(%arg0: i32) -> (i32, i32) {
    %c0_i32 = arith.constant 0 : i32
    %c0_i32_0 = arith.constant 0 : i32
    %c0_i32_1 = arith.constant 0 : i32
    return %c0_i32, %c0_i32_0 : i32, i32
  }
  func.func @transform_2(%arg0: i32) -> (i32, i32, i32) {
    %c0_i32 = arith.constant 0 : i32
    %c0_i32_0 = arith.constant 0 : i32
    %c0_i32_1 = arith.constant 0 : i32
    return %arg0, %c0_i32, %c0_i32_0 : i32, i32, i32
  }
  func.func @transform_3(%arg0: i32) -> (i32, i32) {
    %c0_i32 = arith.constant 0 : i32
    %c0_i32_0 = arith.constant 0 : i32
    %c0_i32_1 = arith.constant 0 : i32
    return %c0_i32, %c0_i32_0 : i32, i32
  }
  func.func @transform_4(%arg0: i32) -> (i32, i32) {
    %c0_i32 = arith.constant 0 : i32
    %c0_i32_0 = arith.constant 0 : i32
    %c0_i32_1 = arith.constant 0 : i32
    return %c0_i32, %c0_i32_0 : i32, i32
  }
}

module attributes {stable_mosaic.version = 14 : i64} {
  func.func @_fin_body(%arg0: memref<4608x32xf32, #tpu.memory_space<vmem>>, %arg1: memref<4608x32xf32, #tpu.memory_space<vmem>>, %arg2: memref<1x8192xf32, #tpu.memory_space<vmem>>, %arg3: memref<1x1xf32, #tpu.memory_space<vmem>>, %arg4: memref<32x8192xf32, #tpu.memory_space<vmem>>, %arg5: memref<4608x32xf32, #tpu.memory_space<vmem>>, %arg6: memref<1x1xf32, #tpu.memory_space<vmem>>, %arg7: memref<1x1xf32, #tpu.memory_space<vmem>>, %arg8: memref<1x1xf32, #tpu.memory_space<vmem>>) attributes {dimension_semantics = [], scalar_prefetch = 0 : i64, scratch_operands = 0 : i64, tpu.core_type = #tpu.core_type<tc>} {
    %get3A = arith.constant 0 : index
    %get3A_0 = arith.constant 0 : index
    %get3A_1 = vector.load %arg0[%get3A, %get3A_0] : memref<4608x32xf32, #tpu.memory_space<vmem>>, vector<4608x32xf32>
    %mul3A = arith.mulf %get3A_1, %get3A_1 : vector<4608x32xf32>
    %reduce_sum3A = arith.constant dense<0.000000e+00> : vector<4608xf32>
    %reduce_sum3A_2 = vector.multi_reduction <add>, %mul3A, %reduce_sum3A [1] : vector<4608x32xf32> to vector<4608xf32>
    %broadcast_in_dim3A = vector.shape_cast %reduce_sum3A_2 : vector<4608xf32> to vector<4608x1xf32>
    %sqrt3A = math.sqrt %broadcast_in_dim3A : vector<4608x1xf32>
    %max3A = arith.constant 9.99999996E-13 : f32
    %max3A_3 = vector.broadcast %max3A : f32 to vector<4608x1xf32>
    %max3A_4 = arith.maximumf %sqrt3A, %max3A_3 : vector<4608x1xf32>
    %div3A = vector.broadcast %max3A_4 : vector<4608x1xf32> to vector<4608x32xf32>
    %div3A_5 = arith.divf %get3A_1, %div3A : vector<4608x32xf32>
    %get3A_6 = arith.constant 0 : index
    %get3A_7 = arith.constant 0 : index
    %get3A_8 = vector.load %arg1[%get3A_6, %get3A_7] : memref<4608x32xf32, #tpu.memory_space<vmem>>, vector<4608x32xf32>
    %mul3A_9 = arith.mulf %get3A_8, %get3A_8 : vector<4608x32xf32>
    %reduce_sum3A_10 = arith.constant dense<0.000000e+00> : vector<4608xf32>
    %reduce_sum3A_11 = vector.multi_reduction <add>, %mul3A_9, %reduce_sum3A_10 [1] : vector<4608x32xf32> to vector<4608xf32>
    %broadcast_in_dim3A_12 = vector.shape_cast %reduce_sum3A_11 : vector<4608xf32> to vector<4608x1xf32>
    %sqrt3A_13 = math.sqrt %broadcast_in_dim3A_12 : vector<4608x1xf32>
    %max3A_14 = arith.constant 9.99999996E-13 : f32
    %max3A_15 = vector.broadcast %max3A_14 : f32 to vector<4608x1xf32>
    %max3A_16 = arith.maximumf %sqrt3A_13, %max3A_15 : vector<4608x1xf32>
    %div3A_17 = vector.broadcast %max3A_16 : vector<4608x1xf32> to vector<4608x32xf32>
    %div3A_18 = arith.divf %get3A_8, %div3A_17 : vector<4608x32xf32>
    %sub3A = arith.subf %div3A_18, %div3A_5 : vector<4608x32xf32>
    %add3A = arith.addf %div3A_5, %sub3A : vector<4608x32xf32>
    %swap3A = arith.constant 0 : index
    %swap3A_19 = arith.constant 0 : index
    %swap3A_20 = vector.load %arg5[%swap3A, %swap3A_19] : memref<4608x32xf32, #tpu.memory_space<vmem>>, vector<4608x32xf32>
    tpu.vector_store %arg5[%swap3A, %swap3A_19], %add3A {strides = array<i32>} : memref<4608x32xf32, #tpu.memory_space<vmem>>, vector<4608x32xf32>,
    %sub3A_21 = arith.subf %div3A_18, %div3A_5 : vector<4608x32xf32>
    %mul3A_22 = arith.mulf %sub3A_21, %sub3A_21 : vector<4608x32xf32>
    %reduce_sum3A_23 = vector.shape_cast %mul3A_22 : vector<4608x32xf32> to vector<1x4608x32xf32>
    %reduce_sum3A_24 = arith.constant dense<0.000000e+00> : vector<1xf32>
    %reduce_sum3A_25 = vector.multi_reduction <add>, %reduce_sum3A_23, %reduce_sum3A_24 [1, 2] : vector<1x4608x32xf32> to vector<1xf32>
    %reduce_sum3A_26 = vector.shape_cast %reduce_sum3A_25 : vector<1xf32> to vector<1x1x1xf32>
    %reduce_sum3A_27 = vector.extract %reduce_sum3A_26[0, 0, 0] : f32 from vector<1x1x1xf32>
    %div3A_28 = arith.constant 1.474560e+05 : f32
    %div3A_29 = arith.divf %reduce_sum3A_27, %div3A_28 : f32
    %mul3A_30 = arith.constant 1.250000e+00 : f32
    %mul3A_31 = arith.mulf %mul3A_30, %div3A_29 : f32
    %get3A_32 = arith.constant 0 : index
    %get3A_33 = arith.constant 0 : index
    %get3A_34 = vector.load %arg2[%get3A_32, %get3A_33] : memref<1x8192xf32, #tpu.memory_space<vmem>>, vector<1x8192xf32>
    %mul3A_35 = arith.constant 2.17013891E-4 : f32
    %mul3A_36 = vector.broadcast %mul3A_35 : f32 to vector<1x8192xf32>
    %mul3A_37 = arith.mulf %get3A_34, %mul3A_36 : vector<1x8192xf32>
    %log3A = math.log %mul3A_37 : vector<1x8192xf32>
    %mul3A_38 = arith.mulf %mul3A_37, %log3A : vector<1x8192xf32>
    %reduce_sum3A_39 = vector.shape_cast %mul3A_38 : vector<1x8192xf32> to vector<1x1x8192xf32>
    %reduce_sum3A_40 = arith.constant dense<0.000000e+00> : vector<1xf32>
    %reduce_sum3A_41 = vector.multi_reduction <add>, %reduce_sum3A_39, %reduce_sum3A_40 [1, 2] : vector<1x1x8192xf32> to vector<1xf32>
    %reduce_sum3A_42 = vector.shape_cast %reduce_sum3A_41 : vector<1xf32> to vector<1x1x1xf32>
    %reduce_sum3A_43 = vector.extract %reduce_sum3A_42[0, 0, 0] : f32 from vector<1x1x1xf32>
    %neg3A = arith.constant 0.000000e+00 : f32
    %neg3A_44 = arith.subf %neg3A, %reduce_sum3A_43 : f32
    %get3A_45 = arith.constant 0 : index
    %get3A_46 = arith.constant 0 : index
    %get3A_47 = vector.load %arg4[%get3A_45, %get3A_46] : memref<32x8192xf32, #tpu.memory_space<vmem>>, vector<32x8192xf32>
    %reduce_sum3A_48 = arith.constant dense<0.000000e+00> : vector<8192xf32>
    %reduce_sum3A_49 = vector.multi_reduction <add>, %get3A_47, %reduce_sum3A_48 [0] : vector<32x8192xf32> to vector<8192xf32>
    %broadcast_in_dim3A_50 = vector.shape_cast %reduce_sum3A_49 : vector<8192xf32> to vector<1x8192xf32>
    %sub3A_51 = arith.subf %mul3A_31, %neg3A_44 : f32
    %reshape3A = vector.broadcast %sub3A_51 : f32 to vector<1x1xf32>
    %swap3A_52 = arith.constant 0 : index
    %swap3A_53 = arith.constant 0 : index
    %swap3A_54 = vector.load %arg6[%swap3A_52, %swap3A_53] : memref<1x1xf32, #tpu.memory_space<vmem>>, vector<1x1xf32>
    tpu.vector_store %arg6[%swap3A_52, %swap3A_53], %reshape3A {strides = array<i32>} : memref<1x1xf32, #tpu.memory_space<vmem>>, vector<1x1xf32>,
    %mul3A_55 = arith.constant 2.17013891E-4 : f32
    %mul3A_56 = vector.broadcast %mul3A_55 : f32 to vector<1x8192xf32>
    %mul3A_57 = arith.mulf %broadcast_in_dim3A_50, %mul3A_56 : vector<1x8192xf32>
    %add3A_58 = arith.constant 1.000000e-10 : f32
    %add3A_59 = vector.broadcast %add3A_58 : f32 to vector<1x8192xf32>
    %add3A_60 = arith.addf %mul3A_57, %add3A_59 : vector<1x8192xf32>
    %log3A_61 = math.log %add3A_60 : vector<1x8192xf32>
    %mul3A_62 = arith.mulf %mul3A_57, %log3A_61 : vector<1x8192xf32>
    %reduce_sum3A_63 = vector.shape_cast %mul3A_62 : vector<1x8192xf32> to vector<1x1x8192xf32>
    %reduce_sum3A_64 = arith.constant dense<0.000000e+00> : vector<1xf32>
    %reduce_sum3A_65 = vector.multi_reduction <add>, %reduce_sum3A_63, %reduce_sum3A_64 [1, 2] : vector<1x1x8192xf32> to vector<1xf32>
    %reduce_sum3A_66 = vector.shape_cast %reduce_sum3A_65 : vector<1xf32> to vector<1x1x1xf32>
    %reduce_sum3A_67 = vector.extract %reduce_sum3A_66[0, 0, 0] : f32 from vector<1x1x1xf32>
    %neg3A_68 = arith.constant 0.000000e+00 : f32
    %neg3A_69 = arith.subf %neg3A_68, %reduce_sum3A_67 : f32
    %exp3A = math.exp %neg3A_69 : f32
    %reshape3A_70 = vector.broadcast %exp3A : f32 to vector<1x1xf32>
    %swap3A_71 = arith.constant 0 : index
    %swap3A_72 = arith.constant 0 : index
    %swap3A_73 = vector.load %arg7[%swap3A_71, %swap3A_72] : memref<1x1xf32, #tpu.memory_space<vmem>>, vector<1x1xf32>
    tpu.vector_store %arg7[%swap3A_71, %swap3A_72], %reshape3A_70 {strides = array<i32>} : memref<1x1xf32, #tpu.memory_space<vmem>>, vector<1x1xf32>,
    %get3A_74 = arith.constant 0 : index
    %get3A_75 = arith.constant 0 : index
    %get3A_76 = vector.load %arg3[%get3A_74, %get3A_75] : memref<1x1xf32, #tpu.memory_space<vmem>>, vector<1x1xf32>
    %mul3A_77 = arith.constant 2.17013891E-4 : f32
    %mul3A_78 = vector.broadcast %mul3A_77 : f32 to vector<1x1xf32>
    %mul3A_79 = arith.mulf %get3A_76, %mul3A_78 : vector<1x1xf32>
    %swap3A_80 = arith.constant 0 : index
    %swap3A_81 = arith.constant 0 : index
    %swap3A_82 = vector.load %arg8[%swap3A_80, %swap3A_81] : memref<1x1xf32, #tpu.memory_space<vmem>>, vector<1x1xf32>
    tpu.vector_store %arg8[%swap3A_80, %swap3A_81], %mul3A_79 {strides = array<i32>} : memref<1x1xf32, #tpu.memory_space<vmem>>, vector<1x1xf32>,
    return
  }
}

</mosaic_0001>

<sc_bundles>
// kernel: kernel.5.cloned.1.call-start
scs
__scs_entry_jumppad:
0x0: {  	(pc) =	sbr.rel $0x88, $3  }
0x1: {  	(tag) =	ssettag $0x0;
	lr =	simm.s32 $0x1  }
0x2: {  	[smem:$0x3F9F] =	sst lr;
	_ =	strace $0xD0000000  }
0x3: {  	_ = 	snop  }
0x4: {  	_ = 	snop  }
0x5: {  	_ = 	snop  }
0x6: {  	_ = 	snop  }
0x7: {  	_ = 	snop  }
__scs_overlays_trampoline_lowered:
0x8: {  	[smem:$0x3FAE] =	sst s0  }
0x9: {  	[smem:$0x3FAF] =	sst s1  }
0xa: {  	[smem:$0x3FB0] =	sst s2  }
0xb: {  	[smem:$0x3FB1] =	sst s3  }
0xc: {  	[smem:$0x3FB2] =	sst s4  }
0xd: {  	[smem:$0x3FB3] =	sst s5  }
0xe: {  	[smem:$0x3FB4] =	sst s6  }
0xf: {  	[smem:$0x3FB5] =	sst s7  }
0x10: {  	[smem:$0x3FB6] =	sst s8  }
0x11: {  	[smem:$0x3FB7] =	sst s9;
	s0 =	simm.s32 @!p0 $0x0  }
0x12: {  	s1 =	sld [smem:$0x3F9D];
	s0 =	simm.s32 @p0 $0x1  }
0x13: {  	[smem:$0x3FB8] =	sst s0;
	s0 =	simm.s32 @!p1 $0x0  }
0x14: {  	s2 =	sld [smem:$0x3F9C];
	s0 =	simm.s32 @p1 $0x1  }
0x15: {  	[smem:$0x3FB9] =	sst s0;
	s0 =	simm.s32 @!p2 $0x0  }
0x16: {  	s3 =	sld [smem:$0x3FDB];
	s0 =	simm.s32 @p2 $0x1  }
0x17: {  	s4 =	simm.s32 $0x1BF5;
	[smem:$0x3FBB] =	sst s0  }
0x18: {  	s0 =	sld [smem:$0x3F9E];
	_ =	swait.ge [sflag:s4], $0x0  }
0x19: {  	s7 =	sld [smem:$0x3F9F]  }
0x1a: {  	s8 =	sadd.s32 $0xFFFFE003, lr  }
0x1b: {  	s9 =	sadd.s32 $0xFFFFFEF7, lr;
	s5 =	simm.s32 $0xFFFFFFFF;
	p2 =	slt.u32 s8, $0xFFFFF086  }
0x1c: {  	p1 =	slt.u32 s9, $0xF7A;
	s5 =	simm.s32 @!p2 $0x0  }
0x1d: {  	s5 =	simm.s32 @p1 $0x1;
	p0 =	seq.s32 s7, s2  }
0x1e: {  	s7 =	smul.u32 @!p0 $0xF7A, s2;
	p2 =	seq.s32 @!p0 s5, $0x0  }
0x1f: {  	s9 =	smul.u32 $0xF7A, s1;
	s8 =	simm.s32 @!p0 $0x1BF5;
	p2 =	por !p2, p0  }
0x20: {  	[sflag:s8] =	ssyncset.s32 @!p0 $0xFFFFF086;
	s6 =	sadd.s32 @!p0 s3, s7;
	s7 =	simm.s32 @!p0 $0x108  }
0x21: {  	s3 =	sadd.s32 s3, s9;
	s6 =	sadd.s32 @!p0 $0x88, s6;
	s7 =	simm.s32 @p2 $0x1082  }
0x22: {  	[simem:s7], [sflag:s8] =	dma.local @!p0 [hbm:s6], $0xF7A  }
0x23: {  	s9 =	sor.u32 $0xD0000000, s2;
	s6 =	simm.s32 $0x108;
	_ =	swait.ge @!p0 [sflag:s8], $0x0  }
0x24: {  	s3 =	sadd.s32 $0x88, s3;
	s6 =	simm.s32 @!p1 $0x1082;
	[sflag:s4] =	ssyncset.s32 $0xFFFFF086  }
0x25: {  	[simem:s6], [sflag:s4] =	dma.local [hbm:s3], $0xF7A  }
0x26: {  	[smem:$0x3F9F] =	sst s1;
	(tag) =	ssettag s2;
	_ =	strace s9  }
0x27: {  	s1 =	sld [smem:$0x3FAF]  }
0x28: {  	s2 =	sld [smem:$0x3FB0]  }
0x29: {  	s4 =	sld [smem:$0x3FB2]  }
0x2a: {  	p0 =	seq.s32 s5, $0x0;
	s5 =	sld [smem:$0x3FB3]  }
0x2b: {  	s6 =	sld [smem:$0x3FB4]  }
0x2c: {  	s7 =	sld [smem:$0x3FB5]  }
0x2d: {  	s3 =	simm.s32 $0x108;
	s8 =	sld [smem:$0x3FB6]  }
0x2e: {  	s3 =	simm.s32 @!p0 $0x1082;
	s9 =	sld [smem:$0x3FB7]  }
0x2f: {  	lr =	sadd.s32 s0, s3;
	s0 =	sld [smem:$0x3FAE]  }
0x30: {  	s3 =	sld [smem:$0x3FB1]  }
0x31: {  	[smem:$0x3FBA] =	sst s10  }
0x32: {  	s10 =	sld [smem:$0x3FB8];
	_ =	sdelay $0x3  }
0x33: {  	p0 =	seq.s32 s10, $0x1;
	s10 =	sld [smem:$0x3FBA];
	_ =	sdelay $0x3  }
0x34: {  	[smem:$0x3FBA] =	sst s10  }
0x35: {  	s10 =	sld [smem:$0x3FB9];
	_ =	sdelay $0x3  }
0x36: {  	p1 =	seq.s32 s10, $0x1;
	s10 =	sld [smem:$0x3FBA];
	_ =	sdelay $0x3  }
0x37: {  	[smem:$0x3FBA] =	sst s10  }
0x38: {  	s10 =	sld [smem:$0x3FBB]  }
0x39: {  	_ = 	snop;
	(pc) =	sbr.ind lr, $3  }
0x3a: {  	_ = 	snop  }
0x3b: {  	_ = 	snop  }
0x3c: {  	p2 =	seq.s32 s10, $0x1;
	s10 =	sld [smem:$0x3FBA]  }
0x3d: {  	_ =	shalt  }
0x3e: {  	_ =	shalt  }
0x3f: {  	_ =	shalt  }
0x40: {  	_ =	shalt  }
0x41: {  	_ =	shalt  }
0x42: {  	_ =	shalt  }
0x43: {  	_ =	shalt  }
0x44: {  	_ =	shalt  }
0x45: {  	_ =	shalt  }
0x46: {  	_ =	shalt  }
0x47: {  	_ =	shalt  }
0x48: {  	_ =	shalt  }
0x49: {  	_ =	shalt  }
0x4a: {  	_ =	shalt  }
0x4b: {  	_ =	shalt  }
0x4c: {  	_ =	shalt  }
0x4d: {  	_ =	shalt  }
0x4e: {  	_ =	shalt  }
0x4f: {  	_ =	shalt  }
0x50: {  	_ =	shalt  }
0x51: {  	_ =	shalt  }
0x52: {  	_ =	shalt  }
0x53: {  	_ =	shalt  }
0x54: {  	_ =	shalt  }
0x55: {  	_ =	shalt  }
0x56: {  	_ =	shalt  }
0x57: {  	_ =	shalt  }
0x58: {  	_ =	shalt  }
0x59: {  	_ =	shalt  }
0x5a: {  	_ =	shalt  }
0x5b: {  	_ =	shalt  }
0x5c: {  	_ =	shalt  }
0x5d: {  	_ =	shalt  }
0x5e: {  	_ =	shalt  }
0x5f: {  	_ =	shalt  }
0x60: {  	_ =	shalt  }
0x61: {  	_ =	shalt  }
0x62: {  	_ =	shalt  }
0x63: {  	_ =	shalt  }
0x64: {  	_ =	shalt  }
0x65: {  	_ =	shalt  }
0x66: {  	_ =	shalt  }
0x67: {  	_ =	shalt  }
0x68: {  	_ =	shalt  }
0x69: {  	_ =	shalt  }
0x6a: {  	_ =	shalt  }
0x6b: {  	_ =	shalt  }
0x6c: {  	_ =	shalt  }
0x6d: {  	_ =	shalt  }
0x6e: {  	_ =	shalt  }
0x6f: {  	_ =	shalt  }
0x70: {  	_ =	shalt  }
0x71: {  	_ =	shalt  }
0x72: {  	_ =	shalt  }
0x73: {  	_ =	shalt  }
0x74: {  	_ =	shalt  }
0x75: {  	_ =	shalt  }
0x76: {  	_ =	shalt  }
0x77: {  	_ =	shalt  }
0x78: {  	_ =	shalt  }
0x79: {  	_ =	shalt  }
0x7a: {  	_ =	shalt  }
0x7b: {  	_ =	shalt  }
0x7c: {  	_ =	shalt  }
0x7d: {  	_ =	shalt  }
0x7e: {  	_ =	shalt  }
0x7f: {  	_ =	shalt  }
0x80: {  	_ =	shalt  }
0x81: {  	_ =	shalt  }
0x82: {  	_ =	shalt  }
0x83: {  	_ =	shalt  }
0x84: {  	_ =	shalt  }
0x85: {  	_ =	shalt  }
0x86: {  	_ =	shalt  }
0x87: {  	_ =	shalt  }
.Lfunc_end0:
.L_simem_size_0:
called_computation_lowered:
.L_overlay_start_0:
0x88: {  	s2 =	sld [smem:$0x3FD9]  }
0x89: {  	s3 =	sld [smem:$0x3FFE];
	_ =	sdelay $0x1  }
0x8a: {  	s1 =	srdreg.scid  }
0x8b: {  	s0 =	sand.u32 $0x1, s1  }
0x8c: {  	s14 =	sshll.u32 s0, $0xA;
	s2 =	sadd.s32 s3, s2  }
0x8d: {  	s2 =	sadd.s32 s2, s14  }
0x8e: {  	[smem:$0x3FC6] =	sst s2  }
0x8f: {  	_ = 	snop  }
0x90: {  	s2 =	sld [smem:$0x3FD0];
	_ =	sdelay $0x2  }
0x91: {  	s15 =	simm.s32 $0xA;
	s4 =	simm.s32 $0x10  }
0x92: {  	[smem:s4], [sflag:s15] =	dma.local [hbm:s2], $0x1  }
0x93: {  	_ =	swait.eq [sflag:s15], $0x1  }
0x94: {  	[sflag:s15] =	ssyncset.done $0x0  }
0x95: {  	s16 =	sld [smem:$0x10];
	[sflag:s15] =	ssyncadd.s32 $0xFFFFFFFF  }
0x96: {  	s17 =	sld [smem:$0x11];
	(tm) =	ssettm $0x1  }
0x97: {  	s18 =	sld [smem:$0x3FFB];
	_ =	sdelay $0x3  }
0x98: {  	_ =	strace s18  }
0x99: {  	s4 =	sld [smem:$0x3FFC];
	_ =	sdelay $0x3  }
0x9a: {  	_ =	strace s4  }
0x9b: {  	s4 =	sld [smem:$0x3FFD];
	_ =	sdelay $0x3  }
0x9c: {  	_ =	strace s4  }
0x9d: {  	_ =	strace $0x8FFFFFFF  }
0x9e: {  	s19 =	sld [smem:$0x3FDB];
	_ =	sdelay $0x1  }
0x9f: {  	s5 =	simm.s32 $_scs_section_size  }
0xa0: {  	s6 =	simm.s32 $_size__tile_overlayer_lowered;
	s7 =	simm.s32 $_tile_overlayer_lowered  }
0xa1: {  	s22 =	simm.s32 $0x1BFF;
	s21 =	sshll.u32 s7, $0x1;
	s4 =	sadd.s32 s5, s19  }
0xa2: {  	s8 =	simm.s32 $0x0;
	s20 =	sshll.u32 s6, $0x1;
	s6 =	sadd.s32 s21, s4  }
0xa3: {  	[timem:s8], [sflag:s22] =	dma.local [hbm:s6], s20  }
0xa4: {  	_ =	swait.ge [sflag:s22], s20  }
0xa5: {  	s5 =	ssub.s32 $0x0, s20;
	[sflag:s22] =	ssyncset.done $0x0  }
0xa6: {  	[sflag:s22] =	ssyncadd.s32 s5;
	_ =	sdelay $0x1  }
0xa7: {  	s23 =	simm.s32 $0x1B8B  }
0xa8: {  	_ =	swait.ge [sflag:s23], $0x1  }
0xa9: {  	[sflag:s23] =	ssyncset.done $0x0  }
0xaa: {  	s25 =	simm.s32 $0x1B8E;
	s24 =	sld [smem:$0x3FFE];
	[sflag:s23] =	ssyncadd.s32 $0xFFFFFFFF  }
0xab: {  	s26 =	simm.s32 $execute0_lowered;
	[smem:$0x3FD2] =	sst s25  }
0xac: {  	s6 =	sshll.u32 s26, $0x1;
	_ =	strace $0x80000046;
	[dreg:$0x1] =	wrdreg $0xFFFFFFFF  }
0xad: {  	s28 =	simm.s32 $_size_execute0_lowered;
	s4 =	sadd.s32 s4, s6;
	[dreg:$0x0] =	wrdreg $0x0  }
0xae: {  	s6 =	sshll.u32 s28, $0x1;
	[dreg:$0x2] =	wrdreg s4  }
0xaf: {  	[dreg:$0x3] =	wrdreg s6  }
0xb0: {  	[dreg:$0x4] =	wrdreg $0xC0  }
0xb1: {  	_ =	task [dreg:s8], $0x5FFFF  }
0xb2: {  	[dreg:$0x1] =	wrdreg $0xFFFFFFFF  }
0xb3: {  	[dreg:$0x0] =	wrdreg $0x60  }
0xb4: {  	[dreg:$0x2] =	wrdreg s24  }
0xb5: {  	[dreg:$0x3] =	wrdreg s17  }
0xb6: {  	[dreg:$0x4] =	wrdreg s16  }
0xb7: {  	[dreg:$0x5] =	wrdreg $0x9  }
0xb8: {  	_ =	task.clear_ibuf [dreg:s8], $0x6FFFF;
	_ =	strace $0x90000046  }
0xb9: {  	s29 =	simm.s32 $0x9;
	_ =	strace $0x80000048  }
0xba: {  	_ =	swait.ge [sflag:s29], $0x1  }
0xbb: {  	[sflag:s29] =	ssyncadd.s32 $0xFFFFFFFF  }
0xbc: {  	_ =	strace $0x90000048  }
0xbd: {  	_ =	sfence  }
0xbe: {  	s30 =	sld [smem:$0x0];
	_ =	sdelay $0x2  }
0xbf: {  	s31 =	sshll.u32 s1, $0xD;
	s1 =	sshrl.u32 s1, $0x2  }
0xc0: {  	s3 =	sand.u32 $0x4000, s31;
	s1 =	sadd.s32 s1, s30  }
0xc1: {  	s0 =	sor.u32 s3, s0;
	s1 =	sshll.u32 s1, $0x11  }
0xc2: {  	s0 =	sor.u32 s1, s0  }
0xc3: {  	s0 =	sadd.s32 $0x8F2B, s0  }
0xc4: {  	[sflag:s0] =	ssyncadd.remote.s32 $0x1  }
0xc5: {  	_ =	sfence.sel $0xFFFF  }
0xc6: {  	[dreg:$0x0] =	wrdreg $0xFFFFFFFF;
	(pc) =	sbr.abs _section_cstart, $3  }
0xc7: {  	[dreg:$0x1] =	wrdreg $0xFFFFFFFF  }
0xc8: {  	_ =	task.clear_ibuf [dreg:s8], $0x2FFFF;
	_ =	strace $0x9FFFFFFF  }
0xc9: {  	(tm) =	ssettm $0x7FFFFFFF  }
tec
execute0_lowered:
.L_overlay_start_1:
0x0: {  	(tag) =	ssettag $0x1  }
0x1: {  	s4 =	rddreg [dreg:$0x0]  }
0x2: {  	s5 =	rddreg [dreg:$0x1]  }
0x3: {  	s6 =	rddreg [dreg:$0x2]  }
0x4: {  	s0 =	rddreg [dreg:$0x3];
	s3 =	srdreg.scid  }
0x5: {  	s1 =	stileid.u32;
	s2 =	simm.s32 $0x0;
	s12 =	simm.s32 $0x0  }
0x6: {  	s3 =	sand.u32 $0x1, s3;
	s7 =	sshll.u32 s1, $0x1;
	[smem:$0x7FF] =	sst s2  }
0x7: {  	s7 =	sor.u32 s3, s7;
	_ =	strace $0x80000047;
	s8 =	ssub.s32 $0x2, s3  }
0x8: {  	s3 =	sadd.s32 $0xE00, s4;
	s9 =	smul.u32 $0x12, s7;
	s10 =	sshll.u32 s7, $0xA  }
0x9: {  	s11 =	sshrl.u32 s8, $0x1;
	s7 =	smul.u32 $0x240, s7;
	s10 =	sadd.s32 s10, s4  }
0xa: {  	s8 =	ssub.s32 s8, s11;
	s11 =	simm.s32 $0x1;
	s4 =	sadd.s32 s5, s9  }
0xb: {  	s5 =	sadd.s32 $0x8E00, s10;
	s6 =	sadd.s32 s6, s7;
	s7 =	smax.u32 s8, $0x1  }
0xc: {  	v0 =	vimm.f32 $0.0e+00;
	v1 =	vimm.f32 $1.000000000e+00;
	s8 =	simm.s32 $0x2;
	s9 =	simm.s32 $0x90;
	s10 =	simm.s32 $0x1290  }
.LBB2_1:
0xd: {  	[tilespmem:s2], [sflag:$0x2] =	stream.linear.gather [hbm4b:s4+s2], $0x90, $0x38;
	[tilespmem:$0x3290] =	vst v63  }
0xe: {  	_ =	swait.ge [sflag:s8], $0x90  }
0xf: {  	[sflag:s8] =	ssyncset.done $0x0  }
0x10: {  	s13 =	simm.s32 $0x40;
	s14 =	simm.s32 $0x0;
	[sflag:s8] =	ssyncadd.s32 $0xFFFFFF70  }
0x11: {  	[tilespmem:s9], [sflag:$0x1] =	stream.indirect.gather [hbm4b:s3+s9], $0x20, s2, s9, $0xb8;
	[tilespmem:$0x3290] =	vst v63  }
.LBB2_2:
0x12: {  	p0 =	sne.s32 s13, $0x7FC0;
	[tilespmem:s14+$0x1290] =	vst v0;
	s14 =	smov.u32 s13;
	s13 =	sadd.s32 $0x40, s13  }
.Ltmp0:
0x13: {  	(pc) =	sbr.rel @p0 .LBB2_2-.Ltmp0, $2  }
0x14: {  	_ =	sdelay $0x2  }
0x15: {  	s14 =	sshra.s32 s14, $0x2  }
0x16: {  	[tilespmem:s14+$0x1290] =	vst v0  }
0x17: {  	v2 =	vld [tilespmem:$0x0];
	_ =	sdelay $0x7  }
0x18: {  	[tilespmem:v2+s10+$0x0] =	vst.idx.add.f32.msk $0xffff, v1  }
0x19: {  	v2 =	vld [tilespmem:$0x10];
	_ =	sdelay $0x7  }
0x1a: {  	[tilespmem:v2+s10+$0x0] =	vst.idx.add.f32.msk $0xffff, v1  }
0x1b: {  	v2 =	vld [tilespmem:$0x20];
	_ =	sdelay $0x7  }
0x1c: {  	[tilespmem:v2+s10+$0x0] =	vst.idx.add.f32.msk $0xffff, v1  }
0x1d: {  	v2 =	vld [tilespmem:$0x30];
	_ =	sdelay $0x7  }
0x1e: {  	[tilespmem:v2+s10+$0x0] =	vst.idx.add.f32.msk $0xffff, v1  }
0x1f: {  	v2 =	vld [tilespmem:$0x40];
	_ =	sdelay $0x7  }
0x20: {  	[tilespmem:v2+s10+$0x0] =	vst.idx.add.f32.msk $0xffff, v1  }
0x21: {  	v2 =	vld [tilespmem:$0x50];
	_ =	sdelay $0x7  }
0x22: {  	[tilespmem:v2+s10+$0x0] =	vst.idx.add.f32.msk $0xffff, v1  }
0x23: {  	v2 =	vld [tilespmem:$0x60];
	_ =	sdelay $0x7  }
0x24: {  	[tilespmem:v2+s10+$0x0] =	vst.idx.add.f32.msk $0xffff, v1  }
0x25: {  	v2 =	vld [tilespmem:$0x70];
	_ =	sdelay $0x7  }
0x26: {  	[tilespmem:v2+s10+$0x0] =	vst.idx.add.f32.msk $0xffff, v1  }
0x27: {  	v2 =	vld [tilespmem:$0x80];
	_ =	sdelay $0x7  }
0x28: {  	[tilespmem:v2+s10+$0x0] =	vst.idx.add.f32.msk $0xffff, v1  }
0x29: {  	[hbm4b:s5+s2] =	stream.linear.scatter [tilespmem:s10], [sflag:$0x2], $0x2000, $0x38;
	[tilespmem:$0x3290] =	vst v63  }
0x2a: {  	_ =	swait.ge [sflag:s8], $0x2000  }
0x2b: {  	[sflag:s8] =	ssyncset.done $0x0  }
0x2c: {  	[sflag:s8] =	ssyncadd.s32 $0xFFFFE000  }
0x2d: {  	s12 =	sadd.s32 $0x1, s12;
	_ =	swait.ge [sflag:s11], $0x1200  }
0x2e: {  	p0 =	sne.s32 s12, s7;
	[sflag:s11] =	ssyncset.done $0x0  }
.Ltmp1:
0x2f: {  	[sflag:s11] =	ssyncadd.s32 $0xFFFFEE00;
	(pc) =	sbr.rel @p0 .LBB2_1-.Ltmp1, $4  }
0x30: {  	[hbm4b:s6+s2] =	stream.linear.scatter [tilespmem:s9], [sflag:$0x2], $0x1200, $0x38;
	[tilespmem:$0x3290] =	vst v63  }
0x31: {  	_ =	swait.ge [sflag:s8], $0x1200  }
0x32: {  	[sflag:s8] =	ssyncset.done $0x0  }
0x33: {  	[sflag:s8] =	ssyncadd.s32 $0xFFFFEE00  }
0x34: {  	_ =	sfence.sel $0x180000  }
0x35: {  	[bflag:$0x0] =	sbarrier.arrive $0xFFFF  }
0x36: {  	p0 =	sne.s32 s1, $0x0;
	_ =	strace $0x90000047  }
0x37: {  	s0 =	sadd.s32 @!p0 $0x100000, s0;
	[bflag:$0x2] =	sbarrier.arrive $0xFFFF  }
0x38: {  	[sflag:s0] =	ssyncadd.tile.s32 @!p0 $0x1;
	_ =	shalt  }
.Lfunc_end2:
_tile_overlayer_lowered:
.L_overlay_start_2:
0x39: {  	(tag) =	ssettag $0x2  }
0x3a: {  	s0 =	rddreg [dreg:$0x0];
	s2 =	stileid.u32  }
0x3b: {  	s1 =	rddreg [dreg:$0x1];
	p0 =	sne.s32 s2, $0x0  }
0x3c: {  	s3 =	rddreg [dreg:$0x2];
	[bflag:$0x3] =	sbarrier.arrive $0xFFFF;
	s2 =	simm.s32 @!p0 $0x1C02  }
0x3d: {  	[timem:s3], [sflag:s2] =	dma.local @!p0 [hbm:s0], s1  }
0x3e: {  	s0 =	simm.s32 @!p0 $0x2  }
0x3f: {  	_ =	swait.ge @!p0 [sflag:s0], s1  }
0x40: {  	s1 =	ssub.s32 @!p0 $0x0, s1;
	[sflag:s0] =	ssyncset.done @!p0 $0x0  }
0x41: {  	[sflag:s0] =	ssyncadd.s32 @!p0 s1  }
0x42: {  	[bflag:$0x3] =	sbarrier.arrive $0xFFFF  }
0x43: {  	_ =	shalt  }

</sc_bundles>
